<compile_context>
chip_gen: v7x
topology: tpu7x:2x2x1
jax: 0.10.2.dev20260603
libtpu: 0.0.44.dev20260713+nightly
codegen_flags: <defaults>
</compile_context>

<pallas_src>
import jax
import jax.numpy as jnp
from jax import lax
from jax.experimental import pallas as pl
from jax.experimental.pallas import tpu as pltpu
from jax.experimental.pallas import tpu_sc as plsc

B = 16384
F = 26
V = 100000
D = 16
DN = 13
NROW = F * D
OUT_H = NROW + DN

NC = 2
NS = 16
NW = NC * NS
RPW = NROW // NW
BCH = 4096
NCHUNK = B // BCH


def _sc_body(xs_hbm, xd_hbm, tab_hbm, out_hbm,
             row_v, idx_v, val0_v, val1_v, rsem, wsem):
    wid = lax.axis_index("s") * NC + lax.axis_index("c")
    vals = (val0_v, val1_v)

    def row_body(j, prev_f):
        c = wid * RPW + j
        f = c // D
        rh = pltpu.async_copy(tab_hbm.at[c], row_v, rsem)

        @pl.when(f != prev_f)
        def _():
            pltpu.sync_copy(xs_hbm.at[f], idx_v)

        rh.wait()
        writes = [None, None]
        for k in range(NCHUNK):
            vb = vals[k % 2]
            if writes[k % 2] is not None:
                writes[k % 2].wait()
            b0 = k * BCH

            @plsc.parallel_loop(0, BCH, step=16, unroll=8)
            def _(i):
                vb[pl.ds(i, 16)] = plsc.load_gather(
                    row_v, [idx_v[pl.ds(b0 + i, 16)]])

            writes[k % 2] = pltpu.async_copy(
                vb, out_hbm.at[c, pl.ds(b0, BCH)], wsem)
        for w in writes:
            w.wait()
        return f

    lax.fori_loop(0, RPW, row_body, -1)

    @pl.when(wid < DN)
    def _():
        def dense_chunk(k, carry):
            b0 = k * BCH
            pltpu.sync_copy(xd_hbm.at[wid, pl.ds(b0, BCH)], val0_v)
            pltpu.sync_copy(val0_v, out_hbm.at[NROW + wid, pl.ds(b0, BCH)])
            return carry

        lax.fori_loop(0, NCHUNK, dense_chunk, 0)


_wide_flatten_sc = pl.kernel(
    _sc_body,
    out_type=jax.ShapeDtypeStruct((OUT_H, B), jnp.float32),
    mesh=plsc.VectorSubcoreMesh(core_axis_name="c", subcore_axis_name="s"),
    scratch_types=[
        pltpu.VMEM((V,), jnp.float32),
        pltpu.VMEM((B,), jnp.int32),
        pltpu.VMEM((BCH,), jnp.float32),
        pltpu.VMEM((BCH,), jnp.float32),
        pltpu.SemaphoreType.DMA,
        pltpu.SemaphoreType.DMA,
    ],
    compiler_params=pltpu.CompilerParams(needs_layout_passes=False),
)


def kernel(x_sparse, x_dense, tables):
    xs2 = x_sparse.T
    xd2 = x_dense.T
    tab2 = tables.transpose(0, 2, 1).reshape(NROW, V)
    out2 = _wide_flatten_sc(xs2, xd2, tab2)
    return out2.T

# --- scband reference (transcript-rebuilt; emitter-appended) ---
"""Pipeline reference for scband-wide-flatten-30949534335392 (READ-ONLY COPY).

The authoritative reference and input builder live on the scoring server;
editing this copy changes nothing except your own understanding.
"""

import jax, jax.numpy as jnp
import numpy as np

BATCH = 16384
FIELDS = 26
VOCAB = 100000
DIM = 16
DENSE = 13


def setup_inputs(seed: int = 0) -> dict:
    key = jax.random.key(seed)
    k1, k2, k3 = jax.random.split(key, 3)
    x_sparse = jax.random.randint(k1, (BATCH, FIELDS), 0, VOCAB, dtype=jnp.int32)
    x_dense = jax.random.normal(k2, (BATCH, DENSE), dtype=jnp.float32)
    # One embedding table per sparse feature column, stacked: [FIELDS, VOCAB, DIM]
    tables = jax.random.normal(k3, (FIELDS, VOCAB, DIM), dtype=jnp.float32) * 0.05
    return {"x_sparse": x_sparse, "x_dense": x_dense, "tables": tables}


def reference(x_sparse, x_dense, tables):
    # sparse_embedding_list: per-field embedding lookup, emb[b, f, :] = tables[f, x_sparse[b, f], :]
    emb = jax.vmap(lambda t, idx: jnp.take(t, idx, axis=0), in_axes=(0, 1), out_axes=1)(tables, x_sparse)  # [B, F, D]
    # combined_dnn_input: flatten sparse embeddings and concat dense values along feature dim
    sparse_flat = emb.reshape(emb.shape[0], -1)  # [B, F*D]
    dnn_input = jnp.concatenate([sparse_flat, x_dense], axis=1)  # [B, F*D + DENSE]
    return dnn_input

if __name__ == "__main__":
    import jax
    _d = setup_inputs()
    print(jax.jit(kernel)(*tuple(_d.values())))

</pallas_src>

<mosaic_0001>
#map = affine_map<(d0, d1) -> (0, 0)>
module attributes {stable_mosaic.version = 14 : i64} {
  func.func @_sc_body(%arg0: i32, %arg1: i32, %arg2: memref<26x16384xi32, #tpu.memory_space<hbm>>, %arg3: memref<13x16384xf32, #tpu.memory_space<hbm>>, %arg4: memref<416x100000xf32, #tpu.memory_space<hbm>>, %arg5: memref<429x16384xf32, #tpu.memory_space<hbm>>, %arg6: memref<100000xf32, #tpu.memory_space<vmem>>, %arg7: memref<16384xi32, #tpu.memory_space<vmem>>, %arg8: memref<4096xf32, #tpu.memory_space<vmem>>, %arg9: memref<4096xf32, #tpu.memory_space<vmem>>, %arg10: memref<!tpu.dma_semaphore, #tpu.memory_space<semaphore_mem>>, %arg11: memref<!tpu.dma_semaphore, #tpu.memory_space<semaphore_mem>>) attributes {dimension_semantics = [#tpu.dimension_semantics<core_parallel>, #tpu.dimension_semantics<subcore_parallel>], iteration_bounds = array<i64: 2, 16>, scalar_prefetch = 0 : i64, scratch_operands = 6 : i64, tpu.core_type = #tpu.core_type<sc_vector_subcore>, window_params = [{transform_indices = #map}, {transform_indices = #map}, {transform_indices = #map}, {transform_indices = #map}]} {
    %mul3A = arith.constant 2 : i32
    %mul3A_0 = arith.muli %arg1, %mul3A : i32
    %add3A = arith.addi %mul3A_0, %arg0 : i32
    %scan3A = arith.constant -1 : i32
    %scan3A_1 = arith.constant 0 : i32
    %scan3A_2 = arith.constant 13 : i32
    %scan3A_3 = arith.addi %scan3A_1, %scan3A_2 : i32
    %scan3A_4 = arith.constant 1 : i32
    %scan3A_5 = scf.for %scan3A_9 = %scan3A_1 to %scan3A_3 step %scan3A_4 iter_args(%scan3A_10 = %scan3A) -> (i32)  : i32 {
      %mul3A_11 = arith.constant 13 : i32
      %mul3A_12 = arith.muli %add3A, %mul3A_11 : i32
      %add3A_13 = arith.addi %mul3A_12, %scan3A_9 : i32
      %jit3A = arith.constant 16 : i32
      %div3A = arith.divsi %add3A_13, %jit3A : i32
      %sign3A = arith.constant 0 : i32
      %sign3A_14 = arith.cmpi sgt, %add3A_13, %sign3A : i32
      %sign3A_15 = arith.extui %sign3A_14 : i1 to i32
      %sign3A_16 = arith.constant 0 : i32
      %sign3A_17 = arith.cmpi slt, %add3A_13, %sign3A_16 : i32
      %sign3A_18 = arith.extui %sign3A_17 : i1 to i32
      %sign3A_19 = arith.subi %sign3A_15, %sign3A_18 : i32
      %sign3A_20 = arith.constant 0 : i32
      %sign3A_21 = arith.cmpi sgt, %jit3A, %sign3A_20 : i32
      %sign3A_22 = arith.extui %sign3A_21 : i1 to i32
      %sign3A_23 = arith.constant 0 : i32
      %sign3A_24 = arith.cmpi slt, %jit3A, %sign3A_23 : i32
      %sign3A_25 = arith.extui %sign3A_24 : i1 to i32
      %sign3A_26 = arith.subi %sign3A_22, %sign3A_25 : i32
      %ne3A = arith.cmpi ne, %sign3A_19, %sign3A_26 : i32
      %rem3A = arith.remsi %add3A_13, %jit3A : i32
      %ne3A_27 = arith.constant 0 : i32
      %ne3A_28 = arith.cmpi ne, %rem3A, %ne3A_27 : i32
      %and3A = arith.andi %ne3A, %ne3A_28 : i1
      %sub3A = arith.constant 1 : i32
      %sub3A_29 = arith.subi %div3A, %sub3A : i32
      %select_n3A = arith.select %and3A, %sub3A_29, %div3A : i32
      %dma_start3A = arith.constant 0 : i32
      %dma_start3A_30 = tpu.memref_slice %arg4[%add3A_13, %dma_start3A] : memref<416x100000xf32, #tpu.memory_space<hbm>> -> memref<1x100000xf32, #tpu.memory_space<hbm>>
      %dma_start3A_31 = tpu.memref_squeeze %dma_start3A_30 : memref<1x100000xf32, #tpu.memory_space<hbm>> -> memref<100000xf32, #tpu.memory_space<hbm>>
      %dma_start3A_32 = arith.constant 0 : i32
      %dma_start3A_33 = tpu.memref_slice %arg4[%add3A_13, %dma_start3A_32] : memref<416x100000xf32, #tpu.memory_space<hbm>> -> memref<1x100000xf32, #tpu.memory_space<hbm>>
      %dma_start3A_34 = tpu.memref_squeeze %dma_start3A_33 : memref<1x100000xf32, #tpu.memory_space<hbm>> -> memref<100000xf32, #tpu.memory_space<hbm>>
      tpu.enqueue_dma source(%dma_start3A_34 : memref<100000xf32, #tpu.memory_space<hbm>>) target(%arg6 : memref<100000xf32, #tpu.memory_space<vmem>>) target_semaphore(%arg10 : memref<!tpu.dma_semaphore, #tpu.memory_space<semaphore_mem>>)
      %ne3A_35 = arith.cmpi ne, %select_n3A, %scan3A_10 : i32
      %convert_element_type3A_36 = arith.extui %ne3A_35 : i1 to i32
      %cond3A_37 = arith.constant 0 : i32
      %cond3A_38 = arith.cmpi ne, %convert_element_type3A_36, %cond3A_37 : i32
      scf.if %cond3A_38 {
        "tpu.region"() ({
          %run_scoped3A = tpu.sem_alloc : memref<!tpu.dma_semaphore, #tpu.memory_space<semaphore_mem>>
          %dma_start3A_103 = arith.constant 0 : i32
          %dma_start3A_104 = tpu.memref_slice %arg2[%select_n3A, %dma_start3A_103] : memref<26x16384xi32, #tpu.memory_space<hbm>> -> memref<1x16384xi32, #tpu.memory_space<hbm>>
          %dma_start3A_105 = tpu.memref_squeeze %dma_start3A_104 : memref<1x16384xi32, #tpu.memory_space<hbm>> -> memref<16384xi32, #tpu.memory_space<hbm>>
          %dma_start3A_106 = arith.constant 0 : i32
          %dma_start3A_107 = tpu.memref_slice %arg2[%select_n3A, %dma_start3A_106] : memref<26x16384xi32, #tpu.memory_space<hbm>> -> memref<1x16384xi32, #tpu.memory_space<hbm>>
          %dma_start3A_108 = tpu.memref_squeeze %dma_start3A_107 : memref<1x16384xi32, #tpu.memory_space<hbm>> -> memref<16384xi32, #tpu.memory_space<hbm>>
          tpu.enqueue_dma source(%dma_start3A_108 : memref<16384xi32, #tpu.memory_space<hbm>>) target(%arg7 : memref<16384xi32, #tpu.memory_space<vmem>>) target_semaphore(%run_scoped3A : memref<!tpu.dma_semaphore, #tpu.memory_space<semaphore_mem>>)
          %dma_wait3A_109 = arith.constant 0 : i32
          %dma_wait3A_110 = tpu.memref_slice %arg2[%select_n3A, %dma_wait3A_109] : memref<26x16384xi32, #tpu.memory_space<hbm>> -> memref<1x16384xi32, #tpu.memory_space<hbm>>
          %dma_wait3A_111 = tpu.memref_squeeze %dma_wait3A_110 : memref<1x16384xi32, #tpu.memory_space<hbm>> -> memref<16384xi32, #tpu.memory_space<hbm>>
          %dma_wait3A_112 = arith.constant 0 : i32
          %dma_wait3A_113 = tpu.memref_slice %arg2[%select_n3A, %dma_wait3A_112] : memref<26x16384xi32, #tpu.memory_space<hbm>> -> memref<1x16384xi32, #tpu.memory_space<hbm>>
          %dma_wait3A_114 = tpu.memref_squeeze %dma_wait3A_113 : memref<1x16384xi32, #tpu.memory_space<hbm>> -> memref<16384xi32, #tpu.memory_space<hbm>>
          tpu.wait_dma2 semaphore(%run_scoped3A : memref<!tpu.dma_semaphore, #tpu.memory_space<semaphore_mem>>) src(%dma_wait3A_114 : memref<16384xi32, #tpu.memory_space<hbm>>) dst(%arg7 : memref<16384xi32, #tpu.memory_space<vmem>>)
          tpu.yield
        }) : () -> ()
      } else {
      }
      %dma_wait3A = arith.constant 0 : i32
      %dma_wait3A_39 = tpu.memref_slice %arg4[%add3A_13, %dma_wait3A] : memref<416x100000xf32, #tpu.memory_space<hbm>> -> memref<1x100000xf32, #tpu.memory_space<hbm>>
      %dma_wait3A_40 = tpu.memref_squeeze %dma_wait3A_39 : memref<1x100000xf32, #tpu.memory_space<hbm>> -> memref<100000xf32, #tpu.memory_space<hbm>>
      %dma_wait3A_41 = arith.constant 0 : i32
      %dma_wait3A_42 = tpu.memref_slice %arg4[%add3A_13, %dma_wait3A_41] : memref<416x100000xf32, #tpu.memory_space<hbm>> -> memref<1x100000xf32, #tpu.memory_space<hbm>>
      %dma_wait3A_43 = tpu.memref_squeeze %dma_wait3A_42 : memref<1x100000xf32, #tpu.memory_space<hbm>> -> memref<100000xf32, #tpu.memory_space<hbm>>
      tpu.wait_dma2 semaphore(%arg10 : memref<!tpu.dma_semaphore, #tpu.memory_space<semaphore_mem>>) src(%dma_wait3A_43 : memref<100000xf32, #tpu.memory_space<hbm>>) dst(%arg6 : memref<100000xf32, #tpu.memory_space<vmem>>)
      %parallel_loop3A = arith.constant 0 : i32
      %parallel_loop3A_44 = arith.constant 4096 : i32
      %parallel_loop3A_45 = arith.constant 16 : i32
      scf.for %parallel_loop3A_103 = %parallel_loop3A to %parallel_loop3A_44 step %parallel_loop3A_45  : i32 {
        %parallel_loop3A_104 = arith.constant 0 : i32
        %parallel_loop3A_105 = arith.addi %parallel_loop3A_104, %parallel_loop3A_103 : i32
        %parallel_loop3A_106 = arith.index_cast %parallel_loop3A_105 : i32 to index
        %parallel_loop3A_107 = tpu.vector_load %arg7[%parallel_loop3A_106] {strides = array<i32>} : memref<16384xi32, #tpu.memory_space<vmem>>, vector<16xi32>,
        %parallel_loop3A_108 = tpu.vector_load_idx %arg6[%parallel_loop3A_107] : memref<100000xf32, #tpu.memory_space<vmem>>[vector<16xi32>], vector<16xf32>,
        %parallel_loop3A_109 = arith.index_cast %parallel_loop3A_103 : i32 to index
        %parallel_loop3A_110 = tpu.vector_load %arg8[%parallel_loop3A_109] {strides = array<i32>} : memref<4096xf32, #tpu.memory_space<vmem>>, vector<16xf32>,
        tpu.vector_store %arg8[%parallel_loop3A_109], %parallel_loop3A_108 {strides = array<i32>} : memref<4096xf32, #tpu.memory_space<vmem>>, vector<16xf32>,
      } {sc.loop_unroll_factor = 8 : i64, sc.parallel_access}
      %dma_start3A_46 = arith.constant 0 : i32
      %dma_start3A_47 = tpu.memref_slice %arg5[%add3A_13, %dma_start3A_46] : memref<429x16384xf32, #tpu.memory_space<hbm>> -> memref<1x4096xf32, #tpu.memory_space<hbm>>
      %dma_start3A_48 = tpu.memref_squeeze %dma_start3A_47 : memref<1x4096xf32, #tpu.memory_space<hbm>> -> memref<4096xf32, #tpu.memory_space<hbm>>
      %dma_start3A_49 = arith.constant 0 : i32
      %dma_start3A_50 = tpu.memref_slice %arg5[%add3A_13, %dma_start3A_49] : memref<429x16384xf32, #tpu.memory_space<hbm>> -> memref<1x4096xf32, #tpu.memory_space<hbm>>
      %dma_start3A_51 = tpu.memref_squeeze %dma_start3A_50 : memref<1x4096xf32, #tpu.memory_space<hbm>> -> memref<4096xf32, #tpu.memory_space<hbm>>
      tpu.enqueue_dma source(%arg8 : memref<4096xf32, #tpu.memory_space<vmem>>) target(%dma_start3A_51 : memref<4096xf32, #tpu.memory_space<hbm>>) target_semaphore(%arg11 : memref<!tpu.dma_semaphore, #tpu.memory_space<semaphore_mem>>)
      %parallel_loop3A_52 = arith.constant 0 : i32
      %parallel_loop3A_53 = arith.constant 4096 : i32
      %parallel_loop3A_54 = arith.constant 16 : i32
      scf.for %parallel_loop3A_103 = %parallel_loop3A_52 to %parallel_loop3A_53 step %parallel_loop3A_54  : i32 {
        %parallel_loop3A_104 = arith.constant 4096 : i32
        %parallel_loop3A_105 = arith.addi %parallel_loop3A_104, %parallel_loop3A_103 : i32
        %parallel_loop3A_106 = arith.index_cast %parallel_loop3A_105 : i32 to index
        %parallel_loop3A_107 = tpu.vector_load %arg7[%parallel_loop3A_106] {strides = array<i32>} : memref<16384xi32, #tpu.memory_space<vmem>>, vector<16xi32>,
        %parallel_loop3A_108 = tpu.vector_load_idx %arg6[%parallel_loop3A_107] : memref<100000xf32, #tpu.memory_space<vmem>>[vector<16xi32>], vector<16xf32>,
        %parallel_loop3A_109 = arith.index_cast %parallel_loop3A_103 : i32 to index
        %parallel_loop3A_110 = tpu.vector_load %arg9[%parallel_loop3A_109] {strides = array<i32>} : memref<4096xf32, #tpu.memory_space<vmem>>, vector<16xf32>,
        tpu.vector_store %arg9[%parallel_loop3A_109], %parallel_loop3A_108 {strides = array<i32>} : memref<4096xf32, #tpu.memory_space<vmem>>, vector<16xf32>,
      } {sc.loop_unroll_factor = 8 : i64, sc.parallel_access}
      %dma_start3A_55 = arith.constant 4096 : i32
      %dma_start3A_56 = tpu.memref_slice %arg5[%add3A_13, %dma_start3A_55] : memref<429x16384xf32, #tpu.memory_space<hbm>> -> memref<1x4096xf32, #tpu.memory_space<hbm>>
      %dma_start3A_57 = tpu.memref_squeeze %dma_start3A_56 : memref<1x4096xf32, #tpu.memory_space<hbm>> -> memref<4096xf32, #tpu.memory_space<hbm>>
      %dma_start3A_58 = arith.constant 4096 : i32
      %dma_start3A_59 = tpu.memref_slice %arg5[%add3A_13, %dma_start3A_58] : memref<429x16384xf32, #tpu.memory_space<hbm>> -> memref<1x4096xf32, #tpu.memory_space<hbm>>
      %dma_start3A_60 = tpu.memref_squeeze %dma_start3A_59 : memref<1x4096xf32, #tpu.memory_space<hbm>> -> memref<4096xf32, #tpu.memory_space<hbm>>
      tpu.enqueue_dma source(%arg9 : memref<4096xf32, #tpu.memory_space<vmem>>) target(%dma_start3A_60 : memref<4096xf32, #tpu.memory_space<hbm>>) target_semaphore(%arg11 : memref<!tpu.dma_semaphore, #tpu.memory_space<semaphore_mem>>)
      %dma_wait3A_61 = arith.constant 0 : i32
      %dma_wait3A_62 = tpu.memref_slice %arg5[%add3A_13, %dma_wait3A_61] : memref<429x16384xf32, #tpu.memory_space<hbm>> -> memref<1x4096xf32, #tpu.memory_space<hbm>>
      %dma_wait3A_63 = tpu.memref_squeeze %dma_wait3A_62 : memref<1x4096xf32, #tpu.memory_space<hbm>> -> memref<4096xf32, #tpu.memory_space<hbm>>
      %dma_wait3A_64 = arith.constant 0 : i32
      %dma_wait3A_65 = tpu.memref_slice %arg5[%add3A_13, %dma_wait3A_64] : memref<429x16384xf32, #tpu.memory_space<hbm>> -> memref<1x4096xf32, #tpu.memory_space<hbm>>
      %dma_wait3A_66 = tpu.memref_squeeze %dma_wait3A_65 : memref<1x4096xf32, #tpu.memory_space<hbm>> -> memref<4096xf32, #tpu.memory_space<hbm>>
      tpu.wait_dma2 semaphore(%arg11 : memref<!tpu.dma_semaphore, #tpu.memory_space<semaphore_mem>>) src(%arg8 : memref<4096xf32, #tpu.memory_space<vmem>>) dst(%dma_wait3A_66 : memref<4096xf32, #tpu.memory_space<hbm>>)
      %parallel_loop3A_67 = arith.constant 0 : i32
      %parallel_loop3A_68 = arith.constant 4096 : i32
      %parallel_loop3A_69 = arith.constant 16 : i32
      scf.for %parallel_loop3A_103 = %parallel_loop3A_67 to %parallel_loop3A_68 step %parallel_loop3A_69  : i32 {
        %parallel_loop3A_104 = arith.constant 8192 : i32
        %parallel_loop3A_105 = arith.addi %parallel_loop3A_104, %parallel_loop3A_103 : i32
        %parallel_loop3A_106 = arith.index_cast %parallel_loop3A_105 : i32 to index
        %parallel_loop3A_107 = tpu.vector_load %arg7[%parallel_loop3A_106] {strides = array<i32>} : memref<16384xi32, #tpu.memory_space<vmem>>, vector<16xi32>,
        %parallel_loop3A_108 = tpu.vector_load_idx %arg6[%parallel_loop3A_107] : memref<100000xf32, #tpu.memory_space<vmem>>[vector<16xi32>], vector<16xf32>,
        %parallel_loop3A_109 = arith.index_cast %parallel_loop3A_103 : i32 to index
        %parallel_loop3A_110 = tpu.vector_load %arg8[%parallel_loop3A_109] {strides = array<i32>} : memref<4096xf32, #tpu.memory_space<vmem>>, vector<16xf32>,
        tpu.vector_store %arg8[%parallel_loop3A_109], %parallel_loop3A_108 {strides = array<i32>} : memref<4096xf32, #tpu.memory_space<vmem>>, vector<16xf32>,
      } {sc.loop_unroll_factor = 8 : i64, sc.parallel_access}
      %dma_start3A_70 = arith.constant 8192 : i32
      %dma_start3A_71 = tpu.memref_slice %arg5[%add3A_13, %dma_start3A_70] : memref<429x16384xf32, #tpu.memory_space<hbm>> -> memref<1x4096xf32, #tpu.memory_space<hbm>>
      %dma_start3A_72 = tpu.memref_squeeze %dma_start3A_71 : memref<1x4096xf32, #tpu.memory_space<hbm>> -> memref<4096xf32, #tpu.memory_space<hbm>>
      %dma_start3A_73 = arith.constant 8192 : i32
      %dma_start3A_74 = tpu.memref_slice %arg5[%add3A_13, %dma_start3A_73] : memref<429x16384xf32, #tpu.memory_space<hbm>> -> memref<1x4096xf32, #tpu.memory_space<hbm>>
      %dma_start3A_75 = tpu.memref_squeeze %dma_start3A_74 : memref<1x4096xf32, #tpu.memory_space<hbm>> -> memref<4096xf32, #tpu.memory_space<hbm>>
      tpu.enqueue_dma source(%arg8 : memref<4096xf32, #tpu.memory_space<vmem>>) target(%dma_start3A_75 : memref<4096xf32, #tpu.memory_space<hbm>>) target_semaphore(%arg11 : memref<!tpu.dma_semaphore, #tpu.memory_space<semaphore_mem>>)
      %dma_wait3A_76 = arith.constant 4096 : i32
      %dma_wait3A_77 = tpu.memref_slice %arg5[%add3A_13, %dma_wait3A_76] : memref<429x16384xf32, #tpu.memory_space<hbm>> -> memref<1x4096xf32, #tpu.memory_space<hbm>>
      %dma_wait3A_78 = tpu.memref_squeeze %dma_wait3A_77 : memref<1x4096xf32, #tpu.memory_space<hbm>> -> memref<4096xf32, #tpu.memory_space<hbm>>
      %dma_wait3A_79 = arith.constant 4096 : i32
      %dma_wait3A_80 = tpu.memref_slice %arg5[%add3A_13, %dma_wait3A_79] : memref<429x16384xf32, #tpu.memory_space<hbm>> -> memref<1x4096xf32, #tpu.memory_space<hbm>>
      %dma_wait3A_81 = tpu.memref_squeeze %dma_wait3A_80 : memref<1x4096xf32, #tpu.memory_space<hbm>> -> memref<4096xf32, #tpu.memory_space<hbm>>
      tpu.wait_dma2 semaphore(%arg11 : memref<!tpu.dma_semaphore, #tpu.memory_space<semaphore_mem>>) src(%arg9 : memref<4096xf32, #tpu.memory_space<vmem>>) dst(%dma_wait3A_81 : memref<4096xf32, #tpu.memory_space<hbm>>)
      %parallel_loop3A_82 = arith.constant 0 : i32
      %parallel_loop3A_83 = arith.constant 4096 : i32
      %parallel_loop3A_84 = arith.constant 16 : i32
      scf.for %parallel_loop3A_103 = %parallel_loop3A_82 to %parallel_loop3A_83 step %parallel_loop3A_84  : i32 {
        %parallel_loop3A_104 = arith.constant 12288 : i32
        %parallel_loop3A_105 = arith.addi %parallel_loop3A_104, %parallel_loop3A_103 : i32
        %parallel_loop3A_106 = arith.index_cast %parallel_loop3A_105 : i32 to index
        %parallel_loop3A_107 = tpu.vector_load %arg7[%parallel_loop3A_106] {strides = array<i32>} : memref<16384xi32, #tpu.memory_space<vmem>>, vector<16xi32>,
        %parallel_loop3A_108 = tpu.vector_load_idx %arg6[%parallel_loop3A_107] : memref<100000xf32, #tpu.memory_space<vmem>>[vector<16xi32>], vector<16xf32>,
        %parallel_loop3A_109 = arith.index_cast %parallel_loop3A_103 : i32 to index
        %parallel_loop3A_110 = tpu.vector_load %arg9[%parallel_loop3A_109] {strides = array<i32>} : memref<4096xf32, #tpu.memory_space<vmem>>, vector<16xf32>,
        tpu.vector_store %arg9[%parallel_loop3A_109], %parallel_loop3A_108 {strides = array<i32>} : memref<4096xf32, #tpu.memory_space<vmem>>, vector<16xf32>,
      } {sc.loop_unroll_factor = 8 : i64, sc.parallel_access}
      %dma_start3A_85 = arith.constant 12288 : i32
      %dma_start3A_86 = tpu.memref_slice %arg5[%add3A_13, %dma_start3A_85] : memref<429x16384xf32, #tpu.memory_space<hbm>> -> memref<1x4096xf32, #tpu.memory_space<hbm>>
      %dma_start3A_87 = tpu.memref_squeeze %dma_start3A_86 : memref<1x4096xf32, #tpu.memory_space<hbm>> -> memref<4096xf32, #tpu.memory_space<hbm>>
      %dma_start3A_88 = arith.constant 12288 : i32
      %dma_start3A_89 = tpu.memref_slice %arg5[%add3A_13, %dma_start3A_88] : memref<429x16384xf32, #tpu.memory_space<hbm>> -> memref<1x4096xf32, #tpu.memory_space<hbm>>
      %dma_start3A_90 = tpu.memref_squeeze %dma_start3A_89 : memref<1x4096xf32, #tpu.memory_space<hbm>> -> memref<4096xf32, #tpu.memory_space<hbm>>
      tpu.enqueue_dma source(%arg9 : memref<4096xf32, #tpu.memory_space<vmem>>) target(%dma_start3A_90 : memref<4096xf32, #tpu.memory_space<hbm>>) target_semaphore(%arg11 : memref<!tpu.dma_semaphore, #tpu.memory_space<semaphore_mem>>)
      %dma_wait3A_91 = arith.constant 8192 : i32
      %dma_wait3A_92 = tpu.memref_slice %arg5[%add3A_13, %dma_wait3A_91] : memref<429x16384xf32, #tpu.memory_space<hbm>> -> memref<1x4096xf32, #tpu.memory_space<hbm>>
      %dma_wait3A_93 = tpu.memref_squeeze %dma_wait3A_92 : memref<1x4096xf32, #tpu.memory_space<hbm>> -> memref<4096xf32, #tpu.memory_space<hbm>>
      %dma_wait3A_94 = arith.constant 8192 : i32
      %dma_wait3A_95 = tpu.memref_slice %arg5[%add3A_13, %dma_wait3A_94] : memref<429x16384xf32, #tpu.memory_space<hbm>> -> memref<1x4096xf32, #tpu.memory_space<hbm>>
      %dma_wait3A_96 = tpu.memref_squeeze %dma_wait3A_95 : memref<1x4096xf32, #tpu.memory_space<hbm>> -> memref<4096xf32, #tpu.memory_space<hbm>>
      tpu.wait_dma2 semaphore(%arg11 : memref<!tpu.dma_semaphore, #tpu.memory_space<semaphore_mem>>) src(%arg8 : memref<4096xf32, #tpu.memory_space<vmem>>) dst(%dma_wait3A_96 : memref<4096xf32, #tpu.memory_space<hbm>>)
      %dma_wait3A_97 = arith.constant 12288 : i32
      %dma_wait3A_98 = tpu.memref_slice %arg5[%add3A_13, %dma_wait3A_97] : memref<429x16384xf32, #tpu.memory_space<hbm>> -> memref<1x4096xf32, #tpu.memory_space<hbm>>
      %dma_wait3A_99 = tpu.memref_squeeze %dma_wait3A_98 : memref<1x4096xf32, #tpu.memory_space<hbm>> -> memref<4096xf32, #tpu.memory_space<hbm>>
      %dma_wait3A_100 = arith.constant 12288 : i32
      %dma_wait3A_101 = tpu.memref_slice %arg5[%add3A_13, %dma_wait3A_100] : memref<429x16384xf32, #tpu.memory_space<hbm>> -> memref<1x4096xf32, #tpu.memory_space<hbm>>
      %dma_wait3A_102 = tpu.memref_squeeze %dma_wait3A_101 : memref<1x4096xf32, #tpu.memory_space<hbm>> -> memref<4096xf32, #tpu.memory_space<hbm>>
      tpu.wait_dma2 semaphore(%arg11 : memref<!tpu.dma_semaphore, #tpu.memory_space<semaphore_mem>>) src(%arg9 : memref<4096xf32, #tpu.memory_space<vmem>>) dst(%dma_wait3A_102 : memref<4096xf32, #tpu.memory_space<hbm>>)
      scf.yield %select_n3A : i32
    }
    %scan3A_6 = arith.constant 13 : i32
    %lt3A = arith.constant 13 : i32
    %lt3A_7 = arith.cmpi slt, %add3A, %lt3A : i32
    %convert_element_type3A = arith.extui %lt3A_7 : i1 to i32
    %cond3A = arith.constant 0 : i32
    %cond3A_8 = arith.cmpi ne, %convert_element_type3A, %cond3A : i32
    scf.if %cond3A_8 {
      %scan3A_9 = arith.constant 0 : i32
      %scan3A_10 = arith.constant 0 : i32
      %scan3A_11 = arith.constant 4 : i32
      %scan3A_12 = arith.addi %scan3A_10, %scan3A_11 : i32
      %scan3A_13 = arith.constant 1 : i32
      scf.for %scan3A_15 = %scan3A_10 to %scan3A_12 step %scan3A_13  : i32 {
        %mul3A_16 = arith.constant 4096 : i32
        %mul3A_17 = arith.muli %scan3A_15, %mul3A_16 : i32
        "tpu.region"() ({
          %run_scoped3A = tpu.sem_alloc : memref<!tpu.dma_semaphore, #tpu.memory_space<semaphore_mem>>
          %dma_start3A = tpu.memref_slice %arg3[%add3A, %mul3A_17] : memref<13x16384xf32, #tpu.memory_space<hbm>> -> memref<1x4096xf32, #tpu.memory_space<hbm>>
          %dma_start3A_20 = tpu.memref_squeeze %dma_start3A : memref<1x4096xf32, #tpu.memory_space<hbm>> -> memref<4096xf32, #tpu.memory_space<hbm>>
          %dma_start3A_21 = tpu.memref_slice %arg3[%add3A, %mul3A_17] : memref<13x16384xf32, #tpu.memory_space<hbm>> -> memref<1x4096xf32, #tpu.memory_space<hbm>>
          %dma_start3A_22 = tpu.memref_squeeze %dma_start3A_21 : memref<1x4096xf32, #tpu.memory_space<hbm>> -> memref<4096xf32, #tpu.memory_space<hbm>>
          tpu.enqueue_dma source(%dma_start3A_22 : memref<4096xf32, #tpu.memory_space<hbm>>) target(%arg8 : memref<4096xf32, #tpu.memory_space<vmem>>) target_semaphore(%run_scoped3A : memref<!tpu.dma_semaphore, #tpu.memory_space<semaphore_mem>>)
          %dma_wait3A = tpu.memref_slice %arg3[%add3A, %mul3A_17] : memref<13x16384xf32, #tpu.memory_space<hbm>> -> memref<1x4096xf32, #tpu.memory_space<hbm>>
          %dma_wait3A_23 = tpu.memref_squeeze %dma_wait3A : memref<1x4096xf32, #tpu.memory_space<hbm>> -> memref<4096xf32, #tpu.memory_space<hbm>>
          %dma_wait3A_24 = tpu.memref_slice %arg3[%add3A, %mul3A_17] : memref<13x16384xf32, #tpu.memory_space<hbm>> -> memref<1x4096xf32, #tpu.memory_space<hbm>>
          %dma_wait3A_25 = tpu.memref_squeeze %dma_wait3A_24 : memref<1x4096xf32, #tpu.memory_space<hbm>> -> memref<4096xf32, #tpu.memory_space<hbm>>
          tpu.wait_dma2 semaphore(%run_scoped3A : memref<!tpu.dma_semaphore, #tpu.memory_space<semaphore_mem>>) src(%dma_wait3A_25 : memref<4096xf32, #tpu.memory_space<hbm>>) dst(%arg8 : memref<4096xf32, #tpu.memory_space<vmem>>)
          tpu.yield
        }) : () -> ()
        %add3A_18 = arith.constant 416 : i32
        %add3A_19 = arith.addi %add3A_18, %add3A : i32
        "tpu.region"() ({
          %run_scoped3A = tpu.sem_alloc : memref<!tpu.dma_semaphore, #tpu.memory_space<semaphore_mem>>
          %dma_start3A = tpu.memref_slice %arg5[%add3A_19, %mul3A_17] : memref<429x16384xf32, #tpu.memory_space<hbm>> -> memref<1x4096xf32, #tpu.memory_space<hbm>>
          %dma_start3A_20 = tpu.memref_squeeze %dma_start3A : memref<1x4096xf32, #tpu.memory_space<hbm>> -> memref<4096xf32, #tpu.memory_space<hbm>>
          %dma_start3A_21 = tpu.memref_slice %arg5[%add3A_19, %mul3A_17] : memref<429x16384xf32, #tpu.memory_space<hbm>> -> memref<1x4096xf32, #tpu.memory_space<hbm>>
          %dma_start3A_22 = tpu.memref_squeeze %dma_start3A_21 : memref<1x4096xf32, #tpu.memory_space<hbm>> -> memref<4096xf32, #tpu.memory_space<hbm>>
          tpu.enqueue_dma source(%arg8 : memref<4096xf32, #tpu.memory_space<vmem>>) target(%dma_start3A_22 : memref<4096xf32, #tpu.memory_space<hbm>>) target_semaphore(%run_scoped3A : memref<!tpu.dma_semaphore, #tpu.memory_space<semaphore_mem>>)
          %dma_wait3A = tpu.memref_slice %arg5[%add3A_19, %mul3A_17] : memref<429x16384xf32, #tpu.memory_space<hbm>> -> memref<1x4096xf32, #tpu.memory_space<hbm>>
          %dma_wait3A_23 = tpu.memref_squeeze %dma_wait3A : memref<1x4096xf32, #tpu.memory_space<hbm>> -> memref<4096xf32, #tpu.memory_space<hbm>>
          %dma_wait3A_24 = tpu.memref_slice %arg5[%add3A_19, %mul3A_17] : memref<429x16384xf32, #tpu.memory_space<hbm>> -> memref<1x4096xf32, #tpu.memory_space<hbm>>
          %dma_wait3A_25 = tpu.memref_squeeze %dma_wait3A_24 : memref<1x4096xf32, #tpu.memory_space<hbm>> -> memref<4096xf32, #tpu.memory_space<hbm>>
          tpu.wait_dma2 semaphore(%run_scoped3A : memref<!tpu.dma_semaphore, #tpu.memory_space<semaphore_mem>>) src(%arg8 : memref<4096xf32, #tpu.memory_space<vmem>>) dst(%dma_wait3A_25 : memref<4096xf32, #tpu.memory_space<hbm>>)
          tpu.yield
        }) : () -> ()
      }
      %scan3A_14 = arith.constant 4 : i32
    } else {
    }
    return
  }
}

</mosaic_0001>

<sc_bundles>
// kernel: kernel.3.cloned.1.call-start
scs
__scs_entry_jumppad:
0x0: {  	(pc) =	sbr.rel $0x88, $3  }
0x1: {  	(tag) =	ssettag $0x0;
	lr =	simm.s32 $0x1  }
0x2: {  	[smem:$0x3F9E] =	sst lr;
	_ =	strace $0xD0000000  }
0x3: {  	_ = 	snop  }
0x4: {  	_ = 	snop  }
0x5: {  	_ = 	snop  }
0x6: {  	_ = 	snop  }
0x7: {  	_ = 	snop  }
__scs_overlays_trampoline_lowered:
0x8: {  	[smem:$0x3FAD] =	sst s0  }
0x9: {  	[smem:$0x3FAE] =	sst s1  }
0xa: {  	[smem:$0x3FAF] =	sst s2  }
0xb: {  	[smem:$0x3FB0] =	sst s3  }
0xc: {  	[smem:$0x3FB1] =	sst s4  }
0xd: {  	[smem:$0x3FB2] =	sst s5  }
0xe: {  	[smem:$0x3FB3] =	sst s6  }
0xf: {  	[smem:$0x3FB4] =	sst s7  }
0x10: {  	[smem:$0x3FB5] =	sst s8  }
0x11: {  	[smem:$0x3FB6] =	sst s9;
	s0 =	simm.s32 @!p0 $0x0  }
0x12: {  	s1 =	sld [smem:$0x3F9C];
	s0 =	simm.s32 @p0 $0x1  }
0x13: {  	[smem:$0x3FB7] =	sst s0;
	s0 =	simm.s32 @!p1 $0x0  }
0x14: {  	s2 =	sld [smem:$0x3F9B];
	s0 =	simm.s32 @p1 $0x1  }
0x15: {  	[smem:$0x3FB8] =	sst s0;
	s0 =	simm.s32 @!p2 $0x0  }
0x16: {  	s3 =	sld [smem:$0x3FDB];
	s0 =	simm.s32 @p2 $0x1  }
0x17: {  	s4 =	simm.s32 $0x1BF5;
	[smem:$0x3FBA] =	sst s0  }
0x18: {  	s0 =	sld [smem:$0x3F9D];
	_ =	swait.ge [sflag:s4], $0x0  }
0x19: {  	s7 =	sld [smem:$0x3F9E]  }
0x1a: {  	s8 =	sadd.s32 $0xFFFFE003, lr  }
0x1b: {  	s9 =	sadd.s32 $0xFFFFFEF7, lr;
	s5 =	simm.s32 $0xFFFFFFFF;
	p2 =	slt.u32 s8, $0xFFFFF086  }
0x1c: {  	p1 =	slt.u32 s9, $0xF7A;
	s5 =	simm.s32 @!p2 $0x0  }
0x1d: {  	s5 =	simm.s32 @p1 $0x1;
	p0 =	seq.s32 s7, s2  }
0x1e: {  	s7 =	smul.u32 @!p0 $0xF7A, s2;
	p2 =	seq.s32 @!p0 s5, $0x0  }
0x1f: {  	s9 =	smul.u32 $0xF7A, s1;
	s8 =	simm.s32 @!p0 $0x1BF5;
	p2 =	por !p2, p0  }
0x20: {  	[sflag:s8] =	ssyncset.s32 @!p0 $0xFFFFF086;
	s6 =	sadd.s32 @!p0 s3, s7;
	s7 =	simm.s32 @!p0 $0x108  }
0x21: {  	s3 =	sadd.s32 s3, s9;
	s6 =	sadd.s32 @!p0 $0x88, s6;
	s7 =	simm.s32 @p2 $0x1082  }
0x22: {  	[simem:s7], [sflag:s8] =	dma.local @!p0 [hbm:s6], $0xF7A  }
0x23: {  	s9 =	sor.u32 $0xD0000000, s2;
	s6 =	simm.s32 $0x108;
	_ =	swait.ge @!p0 [sflag:s8], $0x0  }
0x24: {  	s3 =	sadd.s32 $0x88, s3;
	s6 =	simm.s32 @!p1 $0x1082;
	[sflag:s4] =	ssyncset.s32 $0xFFFFF086  }
0x25: {  	[simem:s6], [sflag:s4] =	dma.local [hbm:s3], $0xF7A  }
0x26: {  	[smem:$0x3F9E] =	sst s1;
	(tag) =	ssettag s2;
	_ =	strace s9  }
0x27: {  	s1 =	sld [smem:$0x3FAE]  }
0x28: {  	s2 =	sld [smem:$0x3FAF]  }
0x29: {  	s4 =	sld [smem:$0x3FB1]  }
0x2a: {  	p0 =	seq.s32 s5, $0x0;
	s5 =	sld [smem:$0x3FB2]  }
0x2b: {  	s6 =	sld [smem:$0x3FB3]  }
0x2c: {  	s7 =	sld [smem:$0x3FB4]  }
0x2d: {  	s3 =	simm.s32 $0x108;
	s8 =	sld [smem:$0x3FB5]  }
0x2e: {  	s3 =	simm.s32 @!p0 $0x1082;
	s9 =	sld [smem:$0x3FB6]  }
0x2f: {  	lr =	sadd.s32 s0, s3;
	s0 =	sld [smem:$0x3FAD]  }
0x30: {  	s3 =	sld [smem:$0x3FB0]  }
0x31: {  	[smem:$0x3FB9] =	sst s10  }
0x32: {  	s10 =	sld [smem:$0x3FB7];
	_ =	sdelay $0x3  }
0x33: {  	p0 =	seq.s32 s10, $0x1;
	s10 =	sld [smem:$0x3FB9];
	_ =	sdelay $0x3  }
0x34: {  	[smem:$0x3FB9] =	sst s10  }
0x35: {  	s10 =	sld [smem:$0x3FB8];
	_ =	sdelay $0x3  }
0x36: {  	p1 =	seq.s32 s10, $0x1;
	s10 =	sld [smem:$0x3FB9];
	_ =	sdelay $0x3  }
0x37: {  	[smem:$0x3FB9] =	sst s10  }
0x38: {  	s10 =	sld [smem:$0x3FBA]  }
0x39: {  	_ = 	snop;
	(pc) =	sbr.ind lr, $3  }
0x3a: {  	_ = 	snop  }
0x3b: {  	_ = 	snop  }
0x3c: {  	p2 =	seq.s32 s10, $0x1;
	s10 =	sld [smem:$0x3FB9]  }
0x3d: {  	_ =	shalt  }
0x3e: {  	_ =	shalt  }
0x3f: {  	_ =	shalt  }
0x40: {  	_ =	shalt  }
0x41: {  	_ =	shalt  }
0x42: {  	_ =	shalt  }
0x43: {  	_ =	shalt  }
0x44: {  	_ =	shalt  }
0x45: {  	_ =	shalt  }
0x46: {  	_ =	shalt  }
0x47: {  	_ =	shalt  }
0x48: {  	_ =	shalt  }
0x49: {  	_ =	shalt  }
0x4a: {  	_ =	shalt  }
0x4b: {  	_ =	shalt  }
0x4c: {  	_ =	shalt  }
0x4d: {  	_ =	shalt  }
0x4e: {  	_ =	shalt  }
0x4f: {  	_ =	shalt  }
0x50: {  	_ =	shalt  }
0x51: {  	_ =	shalt  }
0x52: {  	_ =	shalt  }
0x53: {  	_ =	shalt  }
0x54: {  	_ =	shalt  }
0x55: {  	_ =	shalt  }
0x56: {  	_ =	shalt  }
0x57: {  	_ =	shalt  }
0x58: {  	_ =	shalt  }
0x59: {  	_ =	shalt  }
0x5a: {  	_ =	shalt  }
0x5b: {  	_ =	shalt  }
0x5c: {  	_ =	shalt  }
0x5d: {  	_ =	shalt  }
0x5e: {  	_ =	shalt  }
0x5f: {  	_ =	shalt  }
0x60: {  	_ =	shalt  }
0x61: {  	_ =	shalt  }
0x62: {  	_ =	shalt  }
0x63: {  	_ =	shalt  }
0x64: {  	_ =	shalt  }
0x65: {  	_ =	shalt  }
0x66: {  	_ =	shalt  }
0x67: {  	_ =	shalt  }
0x68: {  	_ =	shalt  }
0x69: {  	_ =	shalt  }
0x6a: {  	_ =	shalt  }
0x6b: {  	_ =	shalt  }
0x6c: {  	_ =	shalt  }
0x6d: {  	_ =	shalt  }
0x6e: {  	_ =	shalt  }
0x6f: {  	_ =	shalt  }
0x70: {  	_ =	shalt  }
0x71: {  	_ =	shalt  }
0x72: {  	_ =	shalt  }
0x73: {  	_ =	shalt  }
0x74: {  	_ =	shalt  }
0x75: {  	_ =	shalt  }
0x76: {  	_ =	shalt  }
0x77: {  	_ =	shalt  }
0x78: {  	_ =	shalt  }
0x79: {  	_ =	shalt  }
0x7a: {  	_ =	shalt  }
0x7b: {  	_ =	shalt  }
0x7c: {  	_ =	shalt  }
0x7d: {  	_ =	shalt  }
0x7e: {  	_ =	shalt  }
0x7f: {  	_ =	shalt  }
0x80: {  	_ =	shalt  }
0x81: {  	_ =	shalt  }
0x82: {  	_ =	shalt  }
0x83: {  	_ =	shalt  }
0x84: {  	_ =	shalt  }
0x85: {  	_ =	shalt  }
0x86: {  	_ =	shalt  }
0x87: {  	_ =	shalt  }
.Lfunc_end0:
.L_simem_size_0:
called_computation_lowered:
.L_overlay_start_0:
0x88: {  	s2 =	sld [smem:$0x3FD9]  }
0x89: {  	s3 =	sld [smem:$0x3FFE];
	_ =	sdelay $0x1  }
0x8a: {  	s1 =	srdreg.scid  }
0x8b: {  	s0 =	sand.u32 $0x1, s1  }
0x8c: {  	s18 =	sshll.u32 s0, $0xA;
	s2 =	sadd.s32 s3, s2  }
0x8d: {  	s2 =	sadd.s32 s2, s18  }
0x8e: {  	[smem:$0x3FC5] =	sst s2  }
0x8f: {  	_ = 	snop  }
0x90: {  	s2 =	sld [smem:$0x3FC9]  }
0x91: {  	s19 =	sld [smem:$0x3FC8]  }
0x92: {  	s4 =	sld [smem:$0x3FC7]  }
0x93: {  	s5 =	sld [smem:$0x3FD0];
	(tm) =	ssettm $0x1  }
0x94: {  	s6 =	sld [smem:$0x3FFB];
	_ =	sdelay $0x3  }
0x95: {  	_ =	strace s6  }
0x96: {  	s6 =	sld [smem:$0x3FFC];
	_ =	sdelay $0x3  }
0x97: {  	_ =	strace s6  }
0x98: {  	s6 =	sld [smem:$0x3FFD];
	_ =	sdelay $0x3  }
0x99: {  	_ =	strace s6  }
0x9a: {  	_ =	strace $0x8FFFFFFF  }
0x9b: {  	s20 =	sld [smem:$0x3FDB];
	_ =	sdelay $0x1  }
0x9c: {  	s7 =	simm.s32 $_scs_section_size  }
0x9d: {  	s8 =	simm.s32 $_size__tile_overlayer_lowered;
	s9 =	simm.s32 $_tile_overlayer_lowered  }
0x9e: {  	s23 =	simm.s32 $0x1BFF;
	s22 =	sshll.u32 s9, $0x1;
	s6 =	sadd.s32 s7, s20  }
0x9f: {  	s10 =	simm.s32 $0x0;
	s21 =	sshll.u32 s8, $0x1;
	s8 =	sadd.s32 s22, s6  }
0xa0: {  	[timem:s10], [sflag:s23] =	dma.local [hbm:s8], s21  }
0xa1: {  	_ =	swait.ge [sflag:s23], s21  }
0xa2: {  	s7 =	ssub.s32 $0x0, s21;
	[sflag:s23] =	ssyncset.done $0x0  }
0xa3: {  	[sflag:s23] =	ssyncadd.s32 s7;
	_ =	sdelay $0x1  }
0xa4: {  	s24 =	simm.s32 $0x1B8B  }
0xa5: {  	_ =	swait.ge [sflag:s24], $0x1  }
0xa6: {  	[sflag:s24] =	ssyncset.done $0x0  }
0xa7: {  	s25 =	simm.s32 $0x1B8E;
	[sflag:s24] =	ssyncadd.s32 $0xFFFFFFFF  }
0xa8: {  	s26 =	simm.s32 $execute0_lowered;
	[smem:$0x3FD2] =	sst s25  }
0xa9: {  	s7 =	sshll.u32 s26, $0x1;
	_ =	strace $0x80000046;
	[dreg:$0x1] =	wrdreg $0xFFFFFFFF  }
0xaa: {  	s28 =	simm.s32 $_size_execute0_lowered;
	s6 =	sadd.s32 s6, s7;
	[dreg:$0x0] =	wrdreg $0x0  }
0xab: {  	s7 =	sshll.u32 s28, $0x1;
	[dreg:$0x2] =	wrdreg s6  }
0xac: {  	[dreg:$0x3] =	wrdreg s7  }
0xad: {  	[dreg:$0x4] =	wrdreg $0xC0  }
0xae: {  	_ =	task [dreg:s10], $0x5FFFF  }
0xaf: {  	[dreg:$0x1] =	wrdreg $0xFFFFFFFF  }
0xb0: {  	[dreg:$0x0] =	wrdreg $0x60  }
0xb1: {  	[dreg:$0x2] =	wrdreg s2  }
0xb2: {  	[dreg:$0x3] =	wrdreg s19  }
0xb3: {  	[dreg:$0x4] =	wrdreg s4  }
0xb4: {  	[dreg:$0x5] =	wrdreg s5  }
0xb5: {  	[dreg:$0x6] =	wrdreg $0x9  }
0xb6: {  	_ =	task.clear_ibuf [dreg:s10], $0x7FFFF;
	_ =	strace $0x90000046  }
0xb7: {  	s29 =	simm.s32 $0x9;
	_ =	strace $0x80000048  }
0xb8: {  	_ =	swait.ge [sflag:s29], $0x1  }
0xb9: {  	[sflag:s29] =	ssyncadd.s32 $0xFFFFFFFF  }
0xba: {  	_ =	strace $0x90000048  }
0xbb: {  	_ =	sfence  }
0xbc: {  	s30 =	sld [smem:$0x0];
	_ =	sdelay $0x2  }
0xbd: {  	s31 =	sshll.u32 s1, $0xD;
	s1 =	sshrl.u32 s1, $0x2  }
0xbe: {  	s3 =	sand.u32 $0x4000, s31;
	s1 =	sadd.s32 s1, s30  }
0xbf: {  	s0 =	sor.u32 s3, s0;
	s1 =	sshll.u32 s1, $0x11  }
0xc0: {  	s0 =	sor.u32 s1, s0  }
0xc1: {  	s0 =	sadd.s32 $0x8F2B, s0  }
0xc2: {  	[sflag:s0] =	ssyncadd.remote.s32 $0x1  }
0xc3: {  	_ =	sfence.sel $0xFFFF  }
0xc4: {  	[dreg:$0x0] =	wrdreg $0xFFFFFFFF;
	(pc) =	sbr.abs _section_cstart, $3  }
0xc5: {  	[dreg:$0x1] =	wrdreg $0xFFFFFFFF  }
0xc6: {  	_ =	task.clear_ibuf [dreg:s10], $0x2FFFF;
	_ =	strace $0x9FFFFFFF  }
0xc7: {  	(tm) =	ssettm $0x7FFFFFFF  }
tec
execute0_lowered:
.L_overlay_start_1:
0x0: {  	(tag) =	ssettag $0x1  }
0x1: {  	s1 =	rddreg [dreg:$0x0]  }
0x2: {  	s0 =	rddreg [dreg:$0x1]  }
0x3: {  	s2 =	rddreg [dreg:$0x2]  }
0x4: {  	s4 =	rddreg [dreg:$0x3];
	s3 =	srdreg.scid;
	s5 =	simm.s32 $0x0  }
0x5: {  	s9 =	stileid.u32;
	s20 =	simm.s32 $0x400;
	s21 =	simm.s32 $0x1  }
0x6: {  	s22 =	simm.s32 $0x1C700;
	s23 =	simm.s32 $0x1D700;
	s24 =	simm.s32 $0x2  }
0x7: {  	s25 =	simm.s32 $0x0;
	s3 =	sand.u32 $0x1, s3;
	[smem:$0x7FF] =	sst s5  }
0x8: {  	s7 =	sshll.u32 s9, $0x1;
	s9 =	sshll.u32 s9, $0xC;
	s18 =	sadd.s32 $0xD0000, s4  }
0x9: {  	s6 =	ssub.s32 $0x2, s3;
	_ =	strace $0x80000047;
	s3 =	sor.u32 s3, s7  }
0xa: {  	s7 =	sadd.s32 $0x1000, s4;
	s8 =	sshrl.u32 s6, $0x1;
	s31 =	sshll.u32 s3, $0x4  }
0xb: {  	p0 =	sgt.u32 s3, $0xC;
	s10 =	ssub.s32 s6, s8;
	s6 =	smul.u32 $0xD, s3  }
0xc: {  	s11 =	sor.u32 s31, s9;
	s8 =	sadd.s32 $0x2000, s4;
	s10 =	smax.u32 s10, $0x1  }
0xd: {  	s9 =	sadd.s32 $0x3000, s4;
	s15 =	sand.u32 $0xC070, s11;
	[dreg:$0x5] =	wrdreg s10  }
0xe: {  	s14 =	sor.u32 $0x1000, s15;
	s11 =	sadd.s32 s0, s15;
	s12 =	sadd.s32 s15, s18  }
0xf: {  	s16 =	sor.u32 $0x2000, s15;
	s19 =	sor.u32 $0x3000, s15;
	s13 =	sadd.s32 s0, s14  }
0x10: {  	s14 =	sadd.s32 s14, s18;
	s15 =	sadd.s32 s0, s16;
	s16 =	sadd.s32 s16, s18  }
0x11: {  	s17 =	sadd.s32 s0, s19;
	s18 =	sadd.s32 s19, s18;
	s19 =	simm.s32 $0x80  }
.LBB2_1:
0x12: {  	s28 =	simm.s32 $0xFFFFFFFF;
	s26 =	simm.s32 $0x0  }
.LBB2_2:
0x13: {  	s0 =	sadd.s32 s6, s26  }
0x14: {  	s29 =	sshrl.u32 s0, $0x3  }
0x15: {  	s3 =	sshll.u32 s0, $0x7;
	s31 =	smul.u32 $0xC3800, s29  }
0x16: {  	s30 =	sand.u32 $0x380, s3  }
0x17: {  	s3 =	sor.u32 s30, s31  }
0x18: {  	s31 =	smov.u32 s28;
	s28 =	sshrl.u32 s0, $0x4;
	s3 =	sshrl.u32 s3, $0x3  }
0x19: {  	p1 =	seq.s32 s28, s31;
	s3 =	sadd.s32 s2, s3  }
0x1a: {  	[tilespmem:s5], [sflag:$0x1] =	stream.strided.gather [hbm4b:s3+s19], $0x18700, s20, s19, $0x38;
	[tilespmem:$0x1E700] =	vst v63  }
0x1b: {  	s0 =	sand.u32 @!p1 $0x70, s0;
	s3 =	sshll.u32 @!p1 s28, $0xB  }
0x1c: {  	s31 =	simm.s32 @!p1 $0x400;
	s0 =	sadd.s32 @!p1 s1, s0;
	s3 =	sand.u32 @!p1 $0xFFFC000, s3  }
0x1d: {  	s10 =	simm.s32 @!p1 $0x18700;
	s0 =	sadd.s32 @!p1 s3, s0;
	s3 =	simm.s32 @!p1 $0x80  }
0x1e: {  	[tilespmem:s10], [sflag:$0x3] =	stream.strided.gather @!p1 [hbm4b:s0+s3], $0x4000, s31, s3, $0x38;
	[tilespmem:$0x1E700] =	vst v63  }
0x1f: {  	s0 =	simm.s32 @!p1 $0x3  }
0x20: {  	_ =	swait.ge @!p1 [sflag:s0], $0x4000  }
0x21: {  	[sflag:s0] =	ssyncset.done @!p1 $0x0  }
0x22: {  	[sflag:s0] =	ssyncadd.s32 @!p1 $0xFFFFC000  }
0x23: {  	_ =	swait.ge [sflag:s21], $0x18700  }
0x24: {  	[sflag:s21] =	ssyncset.done $0x0  }
0x25: {  	s10 =	simm.s32 $0x18740;
	[sflag:s21] =	ssyncadd.s32 $0xFFFE7900  }
0x26: {  	v0 =	vld [tilespmem:s10+$0x30]  }
0x27: {  	v1 =	vld [tilespmem:s10+$0xFFFFFFD0]  }
0x28: {  	v2 =	vld [tilespmem:s10+$0xFFFFFFE0]  }
0x29: {  	v3 =	vld [tilespmem:s10+$0xFFFFFFF0]  }
0x2a: {  	v6 =	vld [tilespmem:s10+$0x0]  }
0x2b: {  	v7 =	vld [tilespmem:s10+$0x10]  }
0x2c: {  	v8 =	vld [tilespmem:s10+$0x20]  }
0x2d: {  	v9 =	vld [tilespmem:s10+$0xFFFFFFC0]  }
0x2e: {  	v10 =	vld.idx.msk [tilespmem:v0+s5+$0x0], $0xffff  }
0x2f: {  	v11 =	vld.idx.msk [tilespmem:v1+s5+$0x0], $0xffff  }
0x30: {  	v5 =	vld.idx.msk [tilespmem:v2+s5+$0x0], $0xffff  }
0x31: {  	v4 =	vld.idx.msk [tilespmem:v3+s5+$0x0], $0xffff  }
0x32: {  	v3 =	vld.idx.msk [tilespmem:v6+s5+$0x0], $0xffff  }
0x33: {  	s31 =	simm.s32 $0x1C740;
	v1 =	vld.idx.msk [tilespmem:v7+s5+$0x0], $0xffff  }
0x34: {  	v0 =	vld.idx.msk [tilespmem:v8+s5+$0x0], $0xffff;
	[tilespmem:s31+$0x30] =	vst v10  }
0x35: {  	s3 =	simm.s32 $0x187C0;
	s0 =	simm.s32 $0x0;
	v2 =	vld.idx.msk [tilespmem:v9+s5+$0x0], $0xffff;
	[tilespmem:s31+$0xFFFFFFD0] =	vst v11  }
.LBB2_3:
0x36: {  	v6 =	vld [tilespmem:s3+$0x30];
	s0 =	sadd.s32 $0x80, s0;
	[tilespmem:s31+$0xFFFFFFE0] =	vst v5  }
0x37: {  	v5 =	vld [tilespmem:s3+$0xFFFFFFD0];
	p1 =	slt.u32 s0, $0xF80;
	[tilespmem:s31+$0xFFFFFFF0] =	vst v4  }
0x38: {  	v4 =	vld [tilespmem:s3+$0xFFFFFFE0];
	[tilespmem:s31+$0x0] =	vst v3  }
0x39: {  	v3 =	vld [tilespmem:s3+$0xFFFFFFF0];
	[tilespmem:s31+$0x10] =	vst v1  }
0x3a: {  	v1 =	vld [tilespmem:s3+$0x0];
	[tilespmem:s31+$0x20] =	vst v0  }
0x3b: {  	v0 =	vld [tilespmem:s3+$0x10];
	[tilespmem:s31+$0xFFFFFFC0] =	vst v2  }
0x3c: {  	v2 =	vld [tilespmem:s3+$0x20]  }
0x3d: {  	v7 =	vld [tilespmem:s3+$0xFFFFFFC0]  }
0x3e: {  	v6 =	vld.idx.msk [tilespmem:v6+s5+$0x0], $0xffff  }
0x3f: {  	v8 =	vld.idx.msk [tilespmem:v5+s5+$0x0], $0xffff  }
0x40: {  	v5 =	vld.idx.msk [tilespmem:v4+s5+$0x0], $0xffff  }
.Ltmp0:
0x41: {  	v4 =	vld.idx.msk [tilespmem:v3+s5+$0x0], $0xffff;
	(pc) =	sbr.rel @p1 .LBB2_3-.Ltmp0, $4  }
0x42: {  	v3 =	vld.idx.msk [tilespmem:v1+s5+$0x0], $0xffff  }
0x43: {  	s31 =	sadd.s32 $0x80, s31;
	v1 =	vld.idx.msk [tilespmem:v0+s5+$0x0], $0xffff  }
0x44: {  	v0 =	vld.idx.msk [tilespmem:v2+s5+$0x0], $0xffff;
	[tilespmem:s31+$0x30] =	vst v6  }
0x45: {  	s3 =	sadd.s32 $0x80, s3;
	v2 =	vld.idx.msk [tilespmem:v7+s5+$0x0], $0xffff;
	[tilespmem:s31+$0xFFFFFFD0] =	vst v8  }
0x46: {  	[tilespmem:s31+$0xFFFFFFE0] =	vst v5  }
0x47: {  	[tilespmem:s31+$0xFFFFFFF0] =	vst v4  }
0x48: {  	s0 =	sshll.u32 s29, $0x11;
	[tilespmem:s31+$0x0] =	vst v3  }
0x49: {  	s0 =	sor.u32 s30, s0;
	[tilespmem:s31+$0x10] =	vst v1  }
0x4a: {  	s29 =	sshrl.u32 s0, $0x3;
	[tilespmem:s31+$0x20] =	vst v0  }
0x4b: {  	s0 =	sadd.s32 s4, s29;
	[tilespmem:s31+$0xFFFFFFC0] =	vst v2;
	s31 =	simm.s32 $0x19770  }
0x4c: {  	[hbm4b:s0+s19] =	stream.strided.scatter [tilespmem:s22], [sflag:$0x2], $0x1000, s20, s19, $0x38;
	[tilespmem:$0x1E700] =	vst v63  }
0x4d: {  	v0 =	vld [tilespmem:s31+$0x0]  }
0x4e: {  	v1 =	vld [tilespmem:s31+$0xFFFFFFA0]  }
0x4f: {  	v2 =	vld [tilespmem:s31+$0xFFFFFFB0]  }
0x50: {  	v3 =	vld [tilespmem:s31+$0xFFFFFFC0]  }
0x51: {  	v4 =	vld [tilespmem:s31+$0xFFFFFFD0]  }
0x52: {  	v6 =	vld [tilespmem:s31+$0xFFFFFFE0]  }
0x53: {  	v7 =	vld [tilespmem:s31+$0xFFFFFFF0]  }
0x54: {  	v8 =	vld [tilespmem:s31+$0xFFFFFF90]  }
0x55: {  	v9 =	vld.idx.msk [tilespmem:v0+s5+$0x0], $0xffff  }
0x56: {  	v10 =	vld.idx.msk [tilespmem:v1+s5+$0x0], $0xffff  }
0x57: {  	v5 =	vld.idx.msk [tilespmem:v2+s5+$0x0], $0xffff  }
0x58: {  	v3 =	vld.idx.msk [tilespmem:v3+s5+$0x0], $0xffff  }
0x59: {  	v0 =	vld.idx.msk [tilespmem:v4+s5+$0x0], $0xffff  }
0x5a: {  	s30 =	simm.s32 $0x1D740;
	v1 =	vld.idx.msk [tilespmem:v6+s5+$0x0], $0xffff  }
0x5b: {  	v2 =	vld.idx.msk [tilespmem:v7+s5+$0x0], $0xffff;
	[tilespmem:s30+$0x30] =	vst v9  }
0x5c: {  	s3 =	simm.s32 $0x197F0;
	s0 =	simm.s32 $0x0;
	v4 =	vld.idx.msk [tilespmem:v8+s5+$0x0], $0xffff;
	[tilespmem:s30+$0xFFFFFFD0] =	vst v10  }
.LBB2_5:
0x5d: {  	v6 =	vld [tilespmem:s3+$0x0];
	s0 =	sadd.s32 $0x80, s0;
	[tilespmem:s30+$0xFFFFFFE0] =	vst v5  }
0x5e: {  	v5 =	vld [tilespmem:s3+$0xFFFFFFA0];
	p1 =	slt.u32 s0, $0xF80;
	[tilespmem:s30+$0xFFFFFFF0] =	vst v3  }
0x5f: {  	v3 =	vld [tilespmem:s3+$0xFFFFFFB0];
	[tilespmem:s30+$0x0] =	vst v0  }
0x60: {  	v0 =	vld [tilespmem:s3+$0xFFFFFFC0];
	[tilespmem:s30+$0x10] =	vst v1  }
0x61: {  	v1 =	vld [tilespmem:s3+$0xFFFFFFD0];
	[tilespmem:s30+$0x20] =	vst v2  }
0x62: {  	v2 =	vld [tilespmem:s3+$0xFFFFFFE0];
	[tilespmem:s30+$0xFFFFFFC0] =	vst v4  }
0x63: {  	v4 =	vld [tilespmem:s3+$0xFFFFFFF0]  }
0x64: {  	v7 =	vld [tilespmem:s3+$0xFFFFFF90]  }
0x65: {  	v6 =	vld.idx.msk [tilespmem:v6+s5+$0x0], $0xffff  }
0x66: {  	v8 =	vld.idx.msk [tilespmem:v5+s5+$0x0], $0xffff  }
0x67: {  	v5 =	vld.idx.msk [tilespmem:v3+s5+$0x0], $0xffff  }
.Ltmp1:
0x68: {  	v3 =	vld.idx.msk [tilespmem:v0+s5+$0x0], $0xffff;
	(pc) =	sbr.rel @p1 .LBB2_5-.Ltmp1, $4  }
0x69: {  	v0 =	vld.idx.msk [tilespmem:v1+s5+$0x0], $0xffff  }
0x6a: {  	s30 =	sadd.s32 $0x80, s30;
	v1 =	vld.idx.msk [tilespmem:v2+s5+$0x0], $0xffff  }
0x6b: {  	v2 =	vld.idx.msk [tilespmem:v4+s5+$0x0], $0xffff;
	[tilespmem:s30+$0x30] =	vst v6  }
0x6c: {  	s3 =	sadd.s32 $0x80, s3;
	v4 =	vld.idx.msk [tilespmem:v7+s5+$0x0], $0xffff;
	[tilespmem:s30+$0xFFFFFFD0] =	vst v8  }
0x6d: {  	[tilespmem:s30+$0xFFFFFFE0] =	vst v5  }
0x6e: {  	[tilespmem:s30+$0xFFFFFFF0] =	vst v3  }
0x6f: {  	[tilespmem:s30+$0x0] =	vst v0  }
0x70: {  	[tilespmem:s30+$0x10] =	vst v1  }
0x71: {  	[tilespmem:s30+$0x20] =	vst v2  }
0x72: {  	s0 =	sadd.s32 s29, s7;
	[tilespmem:s30+$0xFFFFFFC0] =	vst v4  }
0x73: {  	[hbm4b:s0+s19] =	stream.strided.scatter [tilespmem:s23], [sflag:$0x2], $0x1000, s20, s19, $0x38;
	[tilespmem:$0x1E700] =	vst v63  }
0x74: {  	_ =	swait.ge [sflag:s24], $0x1000  }
0x75: {  	[sflag:s24] =	ssyncset.done $0x0  }
0x76: {  	s31 =	simm.s32 $0x1A770;
	[sflag:s24] =	ssyncadd.s32 $0xFFFFF000  }
0x77: {  	v0 =	vld [tilespmem:s31+$0x0]  }
0x78: {  	v1 =	vld [tilespmem:s31+$0xFFFFFFA0]  }
0x79: {  	v2 =	vld [tilespmem:s31+$0xFFFFFFB0]  }
0x7a: {  	v3 =	vld [tilespmem:s31+$0xFFFFFFC0]  }
0x7b: {  	v4 =	vld [tilespmem:s31+$0xFFFFFFD0]  }
0x7c: {  	v6 =	vld [tilespmem:s31+$0xFFFFFFE0]  }
0x7d: {  	v7 =	vld [tilespmem:s31+$0xFFFFFFF0]  }
0x7e: {  	v8 =	vld [tilespmem:s31+$0xFFFFFF90]  }
0x7f: {  	v9 =	vld.idx.msk [tilespmem:v0+s5+$0x0], $0xffff  }
0x80: {  	v10 =	vld.idx.msk [tilespmem:v1+s5+$0x0], $0xffff  }
0x81: {  	v5 =	vld.idx.msk [tilespmem:v2+s5+$0x0], $0xffff  }
0x82: {  	v3 =	vld.idx.msk [tilespmem:v3+s5+$0x0], $0xffff  }
0x83: {  	v0 =	vld.idx.msk [tilespmem:v4+s5+$0x0], $0xffff  }
0x84: {  	s30 =	simm.s32 $0x1C740;
	v1 =	vld.idx.msk [tilespmem:v6+s5+$0x0], $0xffff  }
0x85: {  	v2 =	vld.idx.msk [tilespmem:v7+s5+$0x0], $0xffff;
	[tilespmem:s30+$0x30] =	vst v9  }
0x86: {  	s3 =	simm.s32 $0x1A7F0;
	s0 =	simm.s32 $0x0;
	v4 =	vld.idx.msk [tilespmem:v8+s5+$0x0], $0xffff;
	[tilespmem:s30+$0xFFFFFFD0] =	vst v10  }
.LBB2_7:
0x87: {  	v6 =	vld [tilespmem:s3+$0x0];
	s0 =	sadd.s32 $0x80, s0;
	[tilespmem:s30+$0xFFFFFFE0] =	vst v5  }
0x88: {  	v5 =	vld [tilespmem:s3+$0xFFFFFFA0];
	p1 =	slt.u32 s0, $0xF80;
	[tilespmem:s30+$0xFFFFFFF0] =	vst v3  }
0x89: {  	v3 =	vld [tilespmem:s3+$0xFFFFFFB0];
	[tilespmem:s30+$0x0] =	vst v0  }
0x8a: {  	v0 =	vld [tilespmem:s3+$0xFFFFFFC0];
	[tilespmem:s30+$0x10] =	vst v1  }
0x8b: {  	v1 =	vld [tilespmem:s3+$0xFFFFFFD0];
	[tilespmem:s30+$0x20] =	vst v2  }
0x8c: {  	v2 =	vld [tilespmem:s3+$0xFFFFFFE0];
	[tilespmem:s30+$0xFFFFFFC0] =	vst v4  }
0x8d: {  	v4 =	vld [tilespmem:s3+$0xFFFFFFF0]  }
0x8e: {  	v7 =	vld [tilespmem:s3+$0xFFFFFF90]  }
0x8f: {  	v6 =	vld.idx.msk [tilespmem:v6+s5+$0x0], $0xffff  }
0x90: {  	v8 =	vld.idx.msk [tilespmem:v5+s5+$0x0], $0xffff  }
0x91: {  	v5 =	vld.idx.msk [tilespmem:v3+s5+$0x0], $0xffff  }
.Ltmp2:
0x92: {  	v3 =	vld.idx.msk [tilespmem:v0+s5+$0x0], $0xffff;
	(pc) =	sbr.rel @p1 .LBB2_7-.Ltmp2, $4  }
0x93: {  	v0 =	vld.idx.msk [tilespmem:v1+s5+$0x0], $0xffff  }
0x94: {  	s30 =	sadd.s32 $0x80, s30;
	v1 =	vld.idx.msk [tilespmem:v2+s5+$0x0], $0xffff  }
0x95: {  	v2 =	vld.idx.msk [tilespmem:v4+s5+$0x0], $0xffff;
	[tilespmem:s30+$0x30] =	vst v6  }
0x96: {  	s3 =	sadd.s32 $0x80, s3;
	v4 =	vld.idx.msk [tilespmem:v7+s5+$0x0], $0xffff;
	[tilespmem:s30+$0xFFFFFFD0] =	vst v8  }
0x97: {  	[tilespmem:s30+$0xFFFFFFE0] =	vst v5  }
0x98: {  	[tilespmem:s30+$0xFFFFFFF0] =	vst v3  }
0x99: {  	[tilespmem:s30+$0x0] =	vst v0  }
0x9a: {  	[tilespmem:s30+$0x10] =	vst v1  }
0x9b: {  	[tilespmem:s30+$0x20] =	vst v2  }
0x9c: {  	s0 =	sadd.s32 s29, s8;
	[tilespmem:s30+$0xFFFFFFC0] =	vst v4  }
0x9d: {  	[hbm4b:s0+s19] =	stream.strided.scatter [tilespmem:s22], [sflag:$0x2], $0x1000, s20, s19, $0x38;
	[tilespmem:$0x1E700] =	vst v63  }
0x9e: {  	_ =	swait.ge [sflag:s24], $0x1000  }
0x9f: {  	[sflag:s24] =	ssyncset.done $0x0  }
0xa0: {  	s31 =	simm.s32 $0x1B770;
	[sflag:s24] =	ssyncadd.s32 $0xFFFFF000  }
0xa1: {  	v0 =	vld [tilespmem:s31+$0x0]  }
0xa2: {  	v1 =	vld [tilespmem:s31+$0xFFFFFFA0]  }
0xa3: {  	v2 =	vld [tilespmem:s31+$0xFFFFFFB0]  }
0xa4: {  	v3 =	vld [tilespmem:s31+$0xFFFFFFC0]  }
0xa5: {  	v4 =	vld [tilespmem:s31+$0xFFFFFFD0]  }
0xa6: {  	v6 =	vld [tilespmem:s31+$0xFFFFFFE0]  }
0xa7: {  	v7 =	vld [tilespmem:s31+$0xFFFFFFF0]  }
0xa8: {  	v8 =	vld [tilespmem:s31+$0xFFFFFF90]  }
0xa9: {  	v9 =	vld.idx.msk [tilespmem:v0+s5+$0x0], $0xffff  }
0xaa: {  	v10 =	vld.idx.msk [tilespmem:v1+s5+$0x0], $0xffff  }
0xab: {  	v5 =	vld.idx.msk [tilespmem:v2+s5+$0x0], $0xffff  }
0xac: {  	v3 =	vld.idx.msk [tilespmem:v3+s5+$0x0], $0xffff  }
0xad: {  	v0 =	vld.idx.msk [tilespmem:v4+s5+$0x0], $0xffff  }
0xae: {  	s30 =	simm.s32 $0x1D740;
	v1 =	vld.idx.msk [tilespmem:v6+s5+$0x0], $0xffff  }
0xaf: {  	v2 =	vld.idx.msk [tilespmem:v7+s5+$0x0], $0xffff;
	[tilespmem:s30+$0x30] =	vst v9  }
0xb0: {  	s3 =	simm.s32 $0x1B7F0;
	s0 =	simm.s32 $0x0;
	v4 =	vld.idx.msk [tilespmem:v8+s5+$0x0], $0xffff;
	[tilespmem:s30+$0xFFFFFFD0] =	vst v10  }
.LBB2_9:
0xb1: {  	v6 =	vld [tilespmem:s3+$0x0];
	s0 =	sadd.s32 $0x80, s0;
	[tilespmem:s30+$0xFFFFFFE0] =	vst v5  }
0xb2: {  	v5 =	vld [tilespmem:s3+$0xFFFFFFA0];
	p1 =	slt.u32 s0, $0xF80;
	[tilespmem:s30+$0xFFFFFFF0] =	vst v3  }
0xb3: {  	v3 =	vld [tilespmem:s3+$0xFFFFFFB0];
	[tilespmem:s30+$0x0] =	vst v0  }
0xb4: {  	v0 =	vld [tilespmem:s3+$0xFFFFFFC0];
	[tilespmem:s30+$0x10] =	vst v1  }
0xb5: {  	v1 =	vld [tilespmem:s3+$0xFFFFFFD0];
	[tilespmem:s30+$0x20] =	vst v2  }
0xb6: {  	v2 =	vld [tilespmem:s3+$0xFFFFFFE0];
	[tilespmem:s30+$0xFFFFFFC0] =	vst v4  }
0xb7: {  	v4 =	vld [tilespmem:s3+$0xFFFFFFF0]  }
0xb8: {  	v7 =	vld [tilespmem:s3+$0xFFFFFF90]  }
0xb9: {  	v6 =	vld.idx.msk [tilespmem:v6+s5+$0x0], $0xffff  }
0xba: {  	v8 =	vld.idx.msk [tilespmem:v5+s5+$0x0], $0xffff  }
0xbb: {  	v5 =	vld.idx.msk [tilespmem:v3+s5+$0x0], $0xffff  }
.Ltmp3:
0xbc: {  	v3 =	vld.idx.msk [tilespmem:v0+s5+$0x0], $0xffff;
	(pc) =	sbr.rel @p1 .LBB2_9-.Ltmp3, $4  }
0xbd: {  	v0 =	vld.idx.msk [tilespmem:v1+s5+$0x0], $0xffff  }
0xbe: {  	s30 =	sadd.s32 $0x80, s30;
	v1 =	vld.idx.msk [tilespmem:v2+s5+$0x0], $0xffff  }
0xbf: {  	v2 =	vld.idx.msk [tilespmem:v4+s5+$0x0], $0xffff;
	[tilespmem:s30+$0x30] =	vst v6  }
0xc0: {  	s3 =	sadd.s32 $0x80, s3;
	v4 =	vld.idx.msk [tilespmem:v7+s5+$0x0], $0xffff;
	[tilespmem:s30+$0xFFFFFFD0] =	vst v8  }
0xc1: {  	[tilespmem:s30+$0xFFFFFFE0] =	vst v5  }
0xc2: {  	[tilespmem:s30+$0xFFFFFFF0] =	vst v3  }
0xc3: {  	[tilespmem:s30+$0x0] =	vst v0  }
0xc4: {  	[tilespmem:s30+$0x10] =	vst v1  }
0xc5: {  	[tilespmem:s30+$0x20] =	vst v2  }
0xc6: {  	s0 =	sadd.s32 s29, s9;
	s26 =	sadd.s32 $0x1, s26;
	[tilespmem:s30+$0xFFFFFFC0] =	vst v4  }
0xc7: {  	[hbm4b:s0+s19] =	stream.strided.scatter [tilespmem:s23], [sflag:$0x2], $0x1000, s20, s19, $0x38;
	[tilespmem:$0x1E700] =	vst v63  }
0xc8: {  	p1 =	sne.s32 s26, $0xD;
	_ =	swait.ge [sflag:s24], $0x1000  }
.Ltmp4:
0xc9: {  	[sflag:s24] =	ssyncset.done $0x0;
	(pc) =	sbr.rel @p1 .LBB2_2-.Ltmp4, $4  }
0xca: {  	[sflag:s24] =	ssyncadd.s32 $0xFFFFF000  }
0xcb: {  	_ =	swait.ge [sflag:s24], $0x1000  }
0xcc: {  	[sflag:s24] =	ssyncset.done $0x0  }
0xcd: {  	[sflag:s24] =	ssyncadd.s32 $0xFFFFF000  }
0xce: {  	s0 =	simm.s32 @!p0 $0x80  }
0xcf: {  	s3 =	simm.s32 @!p0 $0x400;
	s10 =	simm.s32 @!p0 $0x1C700;
	s26 =	simm.s32 @!p0 $0x3  }
0xd0: {  	[tilespmem:s10], [sflag:$0x3] =	stream.strided.gather @!p0 [hbm4b:s11+s0], $0x1000, s3, s0, $0x38;
	[tilespmem:$0x1E700] =	vst v63  }
0xd1: {  	_ =	swait.ge @!p0 [sflag:s26], $0x1000  }
0xd2: {  	[sflag:s26] =	ssyncset.done @!p0 $0x0  }
0xd3: {  	[sflag:s26] =	ssyncadd.s32 @!p0 $0xFFFFF000  }
0xd4: {  	[hbm4b:s12+s0] =	stream.strided.scatter @!p0 [tilespmem:s10], [sflag:$0x3], $0x1000, s3, s0, $0x38;
	[tilespmem:$0x1E700] =	vst v63  }
0xd5: {  	_ =	swait.ge @!p0 [sflag:s26], $0x1000  }
0xd6: {  	[sflag:s26] =	ssyncset.done @!p0 $0x0  }
0xd7: {  	[sflag:s26] =	ssyncadd.s32 @!p0 $0xFFFFF000  }
0xd8: {  	[tilespmem:s10], [sflag:$0x3] =	stream.strided.gather @!p0 [hbm4b:s13+s0], $0x1000, s3, s0, $0x38;
	[tilespmem:$0x1E700] =	vst v63  }
0xd9: {  	_ =	swait.ge @!p0 [sflag:s26], $0x1000  }
0xda: {  	[sflag:s26] =	ssyncset.done @!p0 $0x0  }
0xdb: {  	[sflag:s26] =	ssyncadd.s32 @!p0 $0xFFFFF000  }
0xdc: {  	[hbm4b:s14+s0] =	stream.strided.scatter @!p0 [tilespmem:s10], [sflag:$0x3], $0x1000, s3, s0, $0x38;
	[tilespmem:$0x1E700] =	vst v63  }
0xdd: {  	_ =	swait.ge @!p0 [sflag:s26], $0x1000  }
0xde: {  	[sflag:s26] =	ssyncset.done @!p0 $0x0  }
0xdf: {  	[sflag:s26] =	ssyncadd.s32 @!p0 $0xFFFFF000  }
0xe0: {  	[tilespmem:s10], [sflag:$0x3] =	stream.strided.gather @!p0 [hbm4b:s15+s0], $0x1000, s3, s0, $0x38;
	[tilespmem:$0x1E700] =	vst v63  }
0xe1: {  	_ =	swait.ge @!p0 [sflag:s26], $0x1000  }
0xe2: {  	[sflag:s26] =	ssyncset.done @!p0 $0x0  }
0xe3: {  	[sflag:s26] =	ssyncadd.s32 @!p0 $0xFFFFF000  }
0xe4: {  	[hbm4b:s16+s0] =	stream.strided.scatter @!p0 [tilespmem:s10], [sflag:$0x3], $0x1000, s3, s0, $0x38;
	[tilespmem:$0x1E700] =	vst v63  }
0xe5: {  	_ =	swait.ge @!p0 [sflag:s26], $0x1000  }
0xe6: {  	[sflag:s26] =	ssyncset.done @!p0 $0x0  }
0xe7: {  	[sflag:s26] =	ssyncadd.s32 @!p0 $0xFFFFF000  }
0xe8: {  	[tilespmem:s10], [sflag:$0x3] =	stream.strided.gather @!p0 [hbm4b:s17+s0], $0x1000, s3, s0, $0x38;
	[tilespmem:$0x1E700] =	vst v63  }
0xe9: {  	_ =	swait.ge @!p0 [sflag:s26], $0x1000  }
0xea: {  	[sflag:s26] =	ssyncset.done @!p0 $0x0  }
0xeb: {  	[sflag:s26] =	ssyncadd.s32 @!p0 $0xFFFFF000  }
0xec: {  	[hbm4b:s18+s0] =	stream.strided.scatter @!p0 [tilespmem:s10], [sflag:$0x3], $0x1000, s3, s0, $0x38;
	[tilespmem:$0x1E700] =	vst v63  }
0xed: {  	_ =	swait.ge @!p0 [sflag:s26], $0x1000  }
0xee: {  	s25 =	sadd.s32 $0x1, s25;
	s31 =	rddreg [dreg:$0x5]  }
0xef: {  	p1 =	sne.s32 s25, s31  }
.Ltmp5:
0xf0: {  	_ = 	snop;
	(pc) =	sbr.rel @p1 .LBB2_1-.Ltmp5, $3  }
0xf1: {  	_ =	sdelay $0x1  }
0xf2: {  	[sflag:s26] =	ssyncset.done @!p0 $0x0  }
0xf3: {  	[sflag:s26] =	ssyncadd.s32 @!p0 $0xFFFFF000  }
0xf4: {  	_ =	sfence.sel $0x180000  }
0xf5: {  	[bflag:$0x0] =	sbarrier.arrive $0xFFFF  }
0xf6: {  	_ =	strace $0x90000047  }
0xf7: {  	s0 =	stileid.u32;
	[bflag:$0x2] =	sbarrier.arrive $0xFFFF  }
0xf8: {  	p0 =	sne.s32 s0, $0x0;
	s0 =	rddreg [dreg:$0x4]  }
0xf9: {  	s0 =	sadd.s32 @!p0 $0x100000, s0  }
0xfa: {  	[sflag:s0] =	ssyncadd.tile.s32 @!p0 $0x1;
	_ =	shalt  }
.Lfunc_end2:
_tile_overlayer_lowered:
.L_overlay_start_2:
0xfb: {  	(tag) =	ssettag $0x2  }
0xfc: {  	s0 =	rddreg [dreg:$0x0];
	s2 =	stileid.u32  }
0xfd: {  	s1 =	rddreg [dreg:$0x1];
	p0 =	sne.s32 s2, $0x0  }
0xfe: {  	s3 =	rddreg [dreg:$0x2];
	[bflag:$0x3] =	sbarrier.arrive $0xFFFF;
	s2 =	simm.s32 @!p0 $0x1C03  }
0xff: {  	[timem:s3], [sflag:s2] =	dma.local @!p0 [hbm:s0], s1  }
0x100: {  	s0 =	simm.s32 @!p0 $0x3  }
0x101: {  	_ =	swait.ge @!p0 [sflag:s0], s1  }
0x102: {  	s1 =	ssub.s32 @!p0 $0x0, s1;
	[sflag:s0] =	ssyncset.done @!p0 $0x0  }
0x103: {  	[sflag:s0] =	ssyncadd.s32 @!p0 s1  }
0x104: {  	[bflag:$0x3] =	sbarrier.arrive $0xFFFF  }
0x105: {  	_ =	shalt  }

</sc_bundles>
